<compile_context>
chip_gen: v7x
topology: tpu7x:2x2x1
jax: 0.10.2.dev20260603
libtpu: 0.0.44.dev20260713+nightly
codegen_flags: <defaults>
</compile_context>

<pallas_src>
import math

import jax
import jax.numpy as jnp
from jax.experimental import pallas as pl

B, S, NE, N1, N2, KV, QD = 4, 512, 512, 8, 8, 100, 768
EB = 64
CW = 256


def _dot(a, b, trans_b=False):
    dims = (((1,), (1 if trans_b else 0,)), ((), ()))
    return jax.lax.dot_general(a, b, dims, preferred_element_type=jnp.float32)


def _att_body(q0_ref, k1_ref, v1_ref, k2_ref, v2_ref,
              wq1_ref, wkv1_ref, bq1_ref, wq2_ref, wkv2_ref, bq2_ref,
              out_ref):
    f32 = jnp.float32
    q0 = q0_ref[0]

    def qproj(wq_ref, b_ref, wkv_ref):
        qh = jnp.tanh(_dot(q0, wq_ref[...], trans_b=True) + b_ref[...])
        return jax.lax.dot_general(wkv_ref[...], qh, (((0,), (1,)), ((), ())),
                                   preferred_element_type=f32)

    d1 = qproj(wq1_ref, bq1_ref, wkv1_ref)
    d2 = qproj(wq2_ref, bq2_ref, wkv2_ref)

    def att_weights(scores):
        n = scores.shape[1]
        a = jnp.where(scores == 0.0, -10000.0, scores)
        a = jnp.where(a >= 0.0, a, 0.01 * a)
        e = jnp.exp(a)
        p = e / jnp.sum(e, axis=1, keepdims=True)
        return jnp.where(p == 1.0 / n, 0.0, p)

    def probs(kv_rows, d):
        g = kv_rows.shape[0] // N2
        s_col = _dot(kv_rows, d) / math.sqrt(KV)
        s = jnp.transpose(s_col.reshape(g, N2, 1), (0, 2, 1)).reshape(g, N2)
        p = att_weights(s)
        return jnp.transpose(p.reshape(g, 1, N2), (0, 2, 1))

    k2 = k2_ref[0].reshape(EB * N1 * N2, KV)
    v2 = v2_ref[0].reshape(EB * N1, N2, KV)
    p2 = probs(k2, d2)
    sent2 = jnp.sum(v2 * p2, axis=1)

    k1 = k1_ref[0].reshape(EB * N1, KV)
    v1 = v1_ref[0].reshape(EB, N1, KV)
    p1 = probs(k1, d1)
    c1 = jnp.sum(v1 * p1, axis=1)
    c2 = jnp.sum(sent2.reshape(EB, N1, KV) * p1, axis=1)
    pad = jnp.zeros((EB, CW - 2 * KV), f32)
    out_ref[0] = jnp.concatenate([c1, c2, pad], axis=1)


def _attention(q0, k_1, v_1, k_2, v_2, W_kv1, W_kv2, W_q1, b_q1, W_q2, b_q2,
               interpret=False):
    grid = (B, NE // EB)
    fixed = lambda b, e: (0, 0)
    in_specs = [
        pl.BlockSpec((1, 1, QD), lambda b, e: (b, 0, 0)),
        pl.BlockSpec((1, EB, N1, KV), lambda b, e: (b, e, 0, 0)),
        pl.BlockSpec((1, EB, N1, KV), lambda b, e: (b, e, 0, 0)),
        pl.BlockSpec((1, EB, N1, N2, KV), lambda b, e: (b, e, 0, 0, 0)),
        pl.BlockSpec((1, EB, N1, N2, KV), lambda b, e: (b, e, 0, 0, 0)),
        pl.BlockSpec((KV, QD), fixed),
        pl.BlockSpec((KV, KV), fixed),
        pl.BlockSpec((1, KV), fixed),
        pl.BlockSpec((KV, QD), fixed),
        pl.BlockSpec((KV, KV), fixed),
        pl.BlockSpec((1, KV), fixed),
    ]
    return pl.pallas_call(
        _att_body,
        grid=grid,
        in_specs=in_specs,
        out_specs=pl.BlockSpec((1, EB, CW), lambda b, e: (b, e, 0)),
        out_shape=jax.ShapeDtypeStruct((B, NE, CW), jnp.float32),
        interpret=interpret,
    )(q0, k_1, v_1, k_2, v_2, W_q1, W_kv1, b_q1.reshape(1, KV),
      W_q2, W_kv2, b_q2.reshape(1, KV))


def kernel(input_ent, q, k_1, v_1, k_2, v_2,
           W_kv1, W_kv2, W_q1, b_q1, W_q2, b_q2, interpret=False):
    q0 = q[:, 0, :].reshape(B, 1, QD)
    combined = _attention(q0, k_1, v_1, k_2, v_2,
                          W_kv1, W_kv2, W_q1, b_q1, W_q2, b_q2,
                          interpret=interpret)

    mask = input_ent != 0
    rank = jnp.cumsum(mask.astype(jnp.int32), axis=1) - 1
    gathered = jnp.take_along_axis(combined, jnp.clip(rank, 0)[:, :, None],
                                   axis=1)
    out = jnp.where(mask[:, :, None], gathered, 0.0)
    return out[:, :, : 2 * KV]

# --- scband reference (transcript-rebuilt; emitter-appended) ---
"""Pipeline reference for scband-word-graph-attention-51075751084517 (READ-ONLY COPY).

The authoritative reference and input builder live on the scoring server;
editing this copy changes nothing except your own understanding.
"""

import jax, jax.numpy as jnp
import numpy as np
import math

B, S, NE, N1, N2, KV, QD = 4, 512, 512, 8, 8, 100, 768

def _xavier(k, shape):
    fan_out, fan_in = shape[0], shape[1]
    a = math.sqrt(6.0 / (fan_in + fan_out))
    return jax.random.uniform(k, shape, jnp.float32, -a, a)

def setup_inputs(seed: int = 0) -> dict:
    key = jax.random.key(seed)
    ks = jax.random.split(key, 12)
    return {
        "input_ent": jnp.ones((B, S), dtype=jnp.int32),
        "q": jax.random.normal(ks[0], (B, S, QD), jnp.float32),
        "k_1": jax.random.normal(ks[1], (B, NE, N1, KV), jnp.float32),
        "v_1": jax.random.normal(ks[2], (B, NE, N1, KV), jnp.float32),
        "k_2": jax.random.normal(ks[3], (B, NE, N1, N2, KV), jnp.float32),
        "v_2": jax.random.normal(ks[4], (B, NE, N1, N2, KV), jnp.float32),
        "W_kv1": _xavier(ks[5], (KV, KV)),
        "W_kv2": _xavier(ks[6], (KV, KV)),
        "W_q1": _xavier(ks[7], (KV, QD)),
        "b_q1": jax.random.uniform(ks[8], (KV,), jnp.float32, -0.03, 0.03),
        "W_q2": _xavier(ks[9], (KV, QD)),
        "b_q2": jax.random.uniform(ks[10], (KV,), jnp.float32, -0.03, 0.03),
    }

def reference(input_ent, q, k_1, v_1, k_2, v_2, W_kv1, W_kv2, W_q1, b_q1, W_q2, b_q2):
    # mode == 'entity', neighbor_hop == 2
    K_V_dim = W_kv1.shape[0]
    q0 = q[:, 0, :]
    # --- hop-2 attention ---
    Q2 = jnp.tanh(q0 @ W_q2.T + b_q2)[:, None, None, None, :]
    Kt2 = k_2 @ W_kv2.T
    att2 = (Q2 * Kt2).sum(4) / math.sqrt(K_V_dim)
    att2 = jnp.where(att2 == 0.0, -10000.0, att2)
    att2 = jax.nn.softmax(jax.nn.leaky_relu(att2), axis=3)
    n2 = att2.shape[-1]
    att2 = jnp.where(att2 == (1.0 / n2), 0.0, att2)
    sent2 = jnp.matmul(att2[..., None, :], v_2)[..., 0, :]  # [B,NE,N1,KV]
    V1cat = jnp.concatenate([v_1, sent2], axis=-1)          # [B,NE,N1,2*KV]
    # --- hop-1 attention ---
    Q1 = jnp.tanh(q0 @ W_q1.T + b_q1)[:, None, None, :]
    Kt1 = k_1 @ W_kv1.T
    att1 = (Q1 * Kt1).sum(3) / math.sqrt(K_V_dim)
    att1 = jnp.where(att1 == 0.0, -10000.0, att1)
    att1 = jax.nn.softmax(jax.nn.leaky_relu(att1), axis=2)
    n1 = att1.shape[-1]
    att1 = jnp.where(att1 == (1.0 / n1), 0.0, att1)
    combined = jnp.matmul(att1[:, :, None, :], V1cat)[:, :, 0, :]  # [B,NE,2*KV]
    # --- scatter combined reps into token positions marked by input_ent ---
    # torch loop: j-th nonzero position in row b receives combined[b, j]
    mask = input_ent != 0
    rank = jnp.cumsum(mask.astype(jnp.int32), axis=1) - 1
    gathered = jnp.take_along_axis(combined, jnp.clip(rank, 0)[:, :, None], axis=1)
    hidden_states_ent = jnp.where(mask[:, :, None], gathered, 0.0)
    return hidden_states_ent

if __name__ == "__main__":
    import jax
    _d = setup_inputs()
    print(jax.jit(kernel)(*tuple(_d.values())))

</pallas_src>

<mosaic_0001>
module attributes {stable_mosaic.version = 14 : i64} {
  func.func @_att_body(%arg0: i32, %arg1: i32, %arg2: memref<1x1x768xf32, #tpu.memory_space<vmem>>, %arg3: memref<1x64x8x100xf32, #tpu.memory_space<vmem>>, %arg4: memref<1x64x8x100xf32, #tpu.memory_space<vmem>>, %arg5: memref<1x64x8x8x100xf32, #tpu.memory_space<vmem>>, %arg6: memref<1x64x8x8x100xf32, #tpu.memory_space<vmem>>, %arg7: memref<100x768xf32, #tpu.memory_space<vmem>>, %arg8: memref<100x100xf32, #tpu.memory_space<vmem>>, %arg9: memref<1x100xf32, #tpu.memory_space<vmem>>, %arg10: memref<100x768xf32, #tpu.memory_space<vmem>>, %arg11: memref<100x100xf32, #tpu.memory_space<vmem>>, %arg12: memref<1x100xf32, #tpu.memory_space<vmem>>, %arg13: memref<1x64x256xf32, #tpu.memory_space<vmem>>) attributes {dimension_semantics = [#tpu.dimension_semantics<arbitrary>, #tpu.dimension_semantics<arbitrary>], iteration_bounds = array<i64: 4, 8>, scalar_prefetch = 0 : i64, scratch_operands = 0 : i64, tpu.core_type = #tpu.core_type<tc>, window_params = [{transform_indices = @transform_0, window_bounds = array<i64: 1, 1, 768>}, {transform_indices = @transform_1, window_bounds = array<i64: 1, 64, 8, 100>}, {transform_indices = @transform_2, window_bounds = array<i64: 1, 64, 8, 100>}, {transform_indices = @transform_3, window_bounds = array<i64: 1, 64, 8, 8, 100>}, {transform_indices = @transform_4, window_bounds = array<i64: 1, 64, 8, 8, 100>}, {pipeline_mode = #tpu.pipeline_mode<synchronous>, transform_indices = @transform_5, window_bounds = array<i64: 100, 768>}, {pipeline_mode = #tpu.pipeline_mode<synchronous>, transform_indices = @transform_6, window_bounds = array<i64: 100, 100>}, {pipeline_mode = #tpu.pipeline_mode<synchronous>, transform_indices = @transform_7, window_bounds = array<i64: 1, 100>}, {pipeline_mode = #tpu.pipeline_mode<synchronous>, transform_indices = @transform_8, window_bounds = array<i64: 100, 768>}, {pipeline_mode = #tpu.pipeline_mode<synchronous>, transform_indices = @transform_9, window_bounds = array<i64: 100, 100>}, {pipeline_mode = #tpu.pipeline_mode<synchronous>, transform_indices = @transform_10, window_bounds = array<i64: 1, 100>}, {transform_indices = @transform_11, window_bounds = array<i64: 1, 64, 256>}]} {
    %get3A = arith.constant 0 : index
    %get3A_0 = arith.constant 0 : index
    %get3A_1 = arith.constant 0 : index
    %get3A_2 = vector.load %arg2[%get3A, %get3A_0, %get3A_1] : memref<1x1x768xf32, #tpu.memory_space<vmem>>, vector<1x1x768xf32>
    %get3A_3 = vector.shape_cast %get3A_2 : vector<1x1x768xf32> to vector<1x768xf32>
    %get3A_4 = arith.constant 0 : index
    %get3A_5 = arith.constant 0 : index
    %get3A_6 = vector.load %arg7[%get3A_4, %get3A_5] : memref<100x768xf32, #tpu.memory_space<vmem>>, vector<100x768xf32>
    %dot_general3A = arith.constant dense<0.000000e+00> : vector<1x100xf32>
    %dot_general3A_7 = tpu.matmul %get3A_3, %get3A_6, %dot_general3A {dimension_numbers = #tpu.dot_dimension_numbers<[1], [1], [0], [0], [0, 0, 1, 0], [], []>, transpose_lhs_hint = false} : vector<1x768xf32>, vector<100x768xf32>, vector<1x100xf32> -> vector<1x100xf32>
    %get3A_8 = arith.constant 0 : index
    %get3A_9 = arith.constant 0 : index
    %get3A_10 = vector.load %arg9[%get3A_8, %get3A_9] : memref<1x100xf32, #tpu.memory_space<vmem>>, vector<1x100xf32>
    %add3A = arith.addf %dot_general3A_7, %get3A_10 : vector<1x100xf32>
    %tanh3A = math.tanh %add3A : vector<1x100xf32>
    %get3A_11 = arith.constant 0 : index
    %get3A_12 = arith.constant 0 : index
    %get3A_13 = vector.load %arg8[%get3A_11, %get3A_12] : memref<100x100xf32, #tpu.memory_space<vmem>>, vector<100x100xf32>
    %dot_general3A_14 = arith.constant dense<0.000000e+00> : vector<100x1xf32>
    %dot_general3A_15 = tpu.matmul %get3A_13, %tanh3A, %dot_general3A_14 {dimension_numbers = #tpu.dot_dimension_numbers<[0], [1], [1], [0], [0, 1, 1, 0], [], []>, transpose_lhs_hint = false} : vector<100x100xf32>, vector<1x100xf32>, vector<100x1xf32> -> vector<100x1xf32>
    %get3A_16 = arith.constant 0 : index
    %get3A_17 = arith.constant 0 : index
    %get3A_18 = vector.load %arg10[%get3A_16, %get3A_17] : memref<100x768xf32, #tpu.memory_space<vmem>>, vector<100x768xf32>
    %dot_general3A_19 = arith.constant dense<0.000000e+00> : vector<1x100xf32>
    %dot_general3A_20 = tpu.matmul %get3A_3, %get3A_18, %dot_general3A_19 {dimension_numbers = #tpu.dot_dimension_numbers<[1], [1], [0], [0], [0, 0, 1, 0], [], []>, transpose_lhs_hint = false} : vector<1x768xf32>, vector<100x768xf32>, vector<1x100xf32> -> vector<1x100xf32>
    %get3A_21 = arith.constant 0 : index
    %get3A_22 = arith.constant 0 : index
    %get3A_23 = vector.load %arg12[%get3A_21, %get3A_22] : memref<1x100xf32, #tpu.memory_space<vmem>>, vector<1x100xf32>
    %add3A_24 = arith.addf %dot_general3A_20, %get3A_23 : vector<1x100xf32>
    %tanh3A_25 = math.tanh %add3A_24 : vector<1x100xf32>
    %get3A_26 = arith.constant 0 : index
    %get3A_27 = arith.constant 0 : index
    %get3A_28 = vector.load %arg11[%get3A_26, %get3A_27] : memref<100x100xf32, #tpu.memory_space<vmem>>, vector<100x100xf32>
    %dot_general3A_29 = arith.constant dense<0.000000e+00> : vector<100x1xf32>
    %dot_general3A_30 = tpu.matmul %get3A_28, %tanh3A_25, %dot_general3A_29 {dimension_numbers = #tpu.dot_dimension_numbers<[0], [1], [1], [0], [0, 1, 1, 0], [], []>, transpose_lhs_hint = false} : vector<100x100xf32>, vector<1x100xf32>, vector<100x1xf32> -> vector<100x1xf32>
    %get3A_31 = arith.constant 0 : index
    %get3A_32 = arith.constant 0 : index
    %get3A_33 = arith.constant 0 : index
    %get3A_34 = arith.constant 0 : index
    %get3A_35 = arith.constant 0 : index
    %get3A_36 = vector.load %arg5[%get3A_31, %get3A_32, %get3A_33, %get3A_34, %get3A_35] : memref<1x64x8x8x100xf32, #tpu.memory_space<vmem>>, vector<1x64x8x8x100xf32>
    %get3A_37 = vector.shape_cast %get3A_36 : vector<1x64x8x8x100xf32> to vector<64x8x8x100xf32>
    %reshape3A = vector.shape_cast %get3A_37 : vector<64x8x8x100xf32> to vector<4096x100xf32>
    %get3A_38 = arith.constant 0 : index
    %get3A_39 = arith.constant 0 : index
    %get3A_40 = arith.constant 0 : index
    %get3A_41 = arith.constant 0 : index
    %get3A_42 = arith.constant 0 : index
    %get3A_43 = vector.load %arg6[%get3A_38, %get3A_39, %get3A_40, %get3A_41, %get3A_42] : memref<1x64x8x8x100xf32, #tpu.memory_space<vmem>>, vector<1x64x8x8x100xf32>
    %get3A_44 = vector.shape_cast %get3A_43 : vector<1x64x8x8x100xf32> to vector<64x8x8x100xf32>
    %reshape3A_45 = vector.shape_cast %get3A_44 : vector<64x8x8x100xf32> to vector<512x8x100xf32>
    %dot_general3A_46 = arith.constant dense<0.000000e+00> : vector<4096x1xf32>
    %dot_general3A_47 = tpu.matmul %reshape3A, %dot_general3A_30, %dot_general3A_46 {dimension_numbers = #tpu.dot_dimension_numbers<[1], [0], [0], [1], [0, 0, 1, 1], [], []>, transpose_lhs_hint = false} : vector<4096x100xf32>, vector<100x1xf32>, vector<4096x1xf32> -> vector<4096x1xf32>
    %div3A = arith.constant 1.000000e+01 : f32
    %div3A_48 = vector.broadcast %div3A : f32 to vector<4096x1xf32>
    %div3A_49 = arith.divf %dot_general3A_47, %div3A_48 : vector<4096x1xf32>
    %reshape3A_50 = vector.shape_cast %div3A_49 : vector<4096x1xf32> to vector<512x8x1xf32>
    %transpose3A = tpu.transpose %reshape3A_50, [0, 2, 1] : vector<512x8x1xf32> -> vector<512x1x8xf32>
    %reshape3A_51 = vector.shape_cast %transpose3A : vector<512x1x8xf32> to vector<512x8xf32>
    %eq3A = arith.constant 0.000000e+00 : f32
    %eq3A_52 = vector.broadcast %eq3A : f32 to vector<512x8xf32>
    %eq3A_53 = arith.cmpf oeq, %reshape3A_51, %eq3A_52 : vector<512x8xf32>
    %jit3A = arith.constant -1.000000e+04 : f32
    %broadcast_in_dim3A = vector.broadcast %jit3A : f32 to vector<512x8xf32>
    %select_n3A = arith.select %eq3A_53, %broadcast_in_dim3A, %reshape3A_51 : vector<512x8xi1>, vector<512x8xf32>
    %ge3A = arith.constant 0.000000e+00 : f32
    %ge3A_54 = vector.broadcast %ge3A : f32 to vector<512x8xf32>
    %ge3A_55 = arith.cmpf oge, %select_n3A, %ge3A_54 : vector<512x8xf32>
    %mul3A = arith.constant 0.00999999977 : f32
    %mul3A_56 = vector.broadcast %mul3A : f32 to vector<512x8xf32>
    %mul3A_57 = arith.mulf %mul3A_56, %select_n3A : vector<512x8xf32>
    %select_n3A_58 = arith.select %ge3A_55, %select_n3A, %mul3A_57 : vector<512x8xi1>, vector<512x8xf32>
    %exp3A = math.exp %select_n3A_58 : vector<512x8xf32>
    %reduce_sum3A = arith.constant dense<0.000000e+00> : vector<512xf32>
    %reduce_sum3A_59 = vector.multi_reduction <add>, %exp3A, %reduce_sum3A [1] : vector<512x8xf32> to vector<512xf32>
    %broadcast_in_dim3A_60 = vector.shape_cast %reduce_sum3A_59 : vector<512xf32> to vector<512x1xf32>
    %div3A_61 = vector.broadcast %broadcast_in_dim3A_60 : vector<512x1xf32> to vector<512x8xf32>
    %div3A_62 = arith.divf %exp3A, %div3A_61 : vector<512x8xf32>
    %eq3A_63 = arith.constant 1.250000e-01 : f32
    %eq3A_64 = vector.broadcast %eq3A_63 : f32 to vector<512x8xf32>
    %eq3A_65 = arith.cmpf oeq, %div3A_62, %eq3A_64 : vector<512x8xf32>
    %jit3A_66 = arith.constant 0.000000e+00 : f32
    %broadcast_in_dim3A_67 = vector.broadcast %jit3A_66 : f32 to vector<512x8xf32>
    %select_n3A_68 = arith.select %eq3A_65, %broadcast_in_dim3A_67, %div3A_62 : vector<512x8xi1>, vector<512x8xf32>
    %reshape3A_69 = vector.shape_cast %select_n3A_68 : vector<512x8xf32> to vector<512x1x8xf32>
    %transpose3A_70 = tpu.transpose %reshape3A_69, [0, 2, 1] : vector<512x1x8xf32> -> vector<512x8x1xf32>
    %mul3A_71 = vector.broadcast %transpose3A_70 : vector<512x8x1xf32> to vector<512x8x100xf32>
    %mul3A_72 = arith.mulf %reshape3A_45, %mul3A_71 : vector<512x8x100xf32>
    %reduce_sum3A_73 = arith.constant dense<0.000000e+00> : vector<512x100xf32>
    %reduce_sum3A_74 = vector.multi_reduction <add>, %mul3A_72, %reduce_sum3A_73 [1] : vector<512x8x100xf32> to vector<512x100xf32>
    %get3A_75 = arith.constant 0 : index
    %get3A_76 = arith.constant 0 : index
    %get3A_77 = arith.constant 0 : index
    %get3A_78 = arith.constant 0 : index
    %get3A_79 = vector.load %arg3[%get3A_75, %get3A_76, %get3A_77, %get3A_78] : memref<1x64x8x100xf32, #tpu.memory_space<vmem>>, vector<1x64x8x100xf32>
    %get3A_80 = vector.shape_cast %get3A_79 : vector<1x64x8x100xf32> to vector<64x8x100xf32>
    %reshape3A_81 = vector.shape_cast %get3A_80 : vector<64x8x100xf32> to vector<512x100xf32>
    %get3A_82 = arith.constant 0 : index
    %get3A_83 = arith.constant 0 : index
    %get3A_84 = arith.constant 0 : index
    %get3A_85 = arith.constant 0 : index
    %get3A_86 = vector.load %arg4[%get3A_82, %get3A_83, %get3A_84, %get3A_85] : memref<1x64x8x100xf32, #tpu.memory_space<vmem>>, vector<1x64x8x100xf32>
    %get3A_87 = vector.shape_cast %get3A_86 : vector<1x64x8x100xf32> to vector<64x8x100xf32>
    %dot_general3A_88 = arith.constant dense<0.000000e+00> : vector<512x1xf32>
    %dot_general3A_89 = tpu.matmul %reshape3A_81, %dot_general3A_15, %dot_general3A_88 {dimension_numbers = #tpu.dot_dimension_numbers<[1], [0], [0], [1], [0, 0, 1, 1], [], []>, transpose_lhs_hint = false} : vector<512x100xf32>, vector<100x1xf32>, vector<512x1xf32> -> vector<512x1xf32>
    %div3A_90 = arith.constant 1.000000e+01 : f32
    %div3A_91 = vector.broadcast %div3A_90 : f32 to vector<512x1xf32>
    %div3A_92 = arith.divf %dot_general3A_89, %div3A_91 : vector<512x1xf32>
    %reshape3A_93 = vector.shape_cast %div3A_92 : vector<512x1xf32> to vector<64x8x1xf32>
    %transpose3A_94 = tpu.transpose %reshape3A_93, [0, 2, 1] : vector<64x8x1xf32> -> vector<64x1x8xf32>
    %reshape3A_95 = vector.shape_cast %transpose3A_94 : vector<64x1x8xf32> to vector<64x8xf32>
    %eq3A_96 = arith.constant 0.000000e+00 : f32
    %eq3A_97 = vector.broadcast %eq3A_96 : f32 to vector<64x8xf32>
    %eq3A_98 = arith.cmpf oeq, %reshape3A_95, %eq3A_97 : vector<64x8xf32>
    %jit3A_99 = arith.constant -1.000000e+04 : f32
    %broadcast_in_dim3A_100 = vector.broadcast %jit3A_99 : f32 to vector<64x8xf32>
    %select_n3A_101 = arith.select %eq3A_98, %broadcast_in_dim3A_100, %reshape3A_95 : vector<64x8xi1>, vector<64x8xf32>
    %ge3A_102 = arith.constant 0.000000e+00 : f32
    %ge3A_103 = vector.broadcast %ge3A_102 : f32 to vector<64x8xf32>
    %ge3A_104 = arith.cmpf oge, %select_n3A_101, %ge3A_103 : vector<64x8xf32>
    %mul3A_105 = arith.constant 0.00999999977 : f32
    %mul3A_106 = vector.broadcast %mul3A_105 : f32 to vector<64x8xf32>
    %mul3A_107 = arith.mulf %mul3A_106, %select_n3A_101 : vector<64x8xf32>
    %select_n3A_108 = arith.select %ge3A_104, %select_n3A_101, %mul3A_107 : vector<64x8xi1>, vector<64x8xf32>
    %exp3A_109 = math.exp %select_n3A_108 : vector<64x8xf32>
    %reduce_sum3A_110 = arith.constant dense<0.000000e+00> : vector<64xf32>
    %reduce_sum3A_111 = vector.multi_reduction <add>, %exp3A_109, %reduce_sum3A_110 [1] : vector<64x8xf32> to vector<64xf32>
    %broadcast_in_dim3A_112 = vector.shape_cast %reduce_sum3A_111 : vector<64xf32> to vector<64x1xf32>
    %div3A_113 = vector.broadcast %broadcast_in_dim3A_112 : vector<64x1xf32> to vector<64x8xf32>
    %div3A_114 = arith.divf %exp3A_109, %div3A_113 : vector<64x8xf32>
    %eq3A_115 = arith.constant 1.250000e-01 : f32
    %eq3A_116 = vector.broadcast %eq3A_115 : f32 to vector<64x8xf32>
    %eq3A_117 = arith.cmpf oeq, %div3A_114, %eq3A_116 : vector<64x8xf32>
    %jit3A_118 = arith.constant 0.000000e+00 : f32
    %broadcast_in_dim3A_119 = vector.broadcast %jit3A_118 : f32 to vector<64x8xf32>
    %select_n3A_120 = arith.select %eq3A_117, %broadcast_in_dim3A_119, %div3A_114 : vector<64x8xi1>, vector<64x8xf32>
    %reshape3A_121 = vector.shape_cast %select_n3A_120 : vector<64x8xf32> to vector<64x1x8xf32>
    %transpose3A_122 = tpu.transpose %reshape3A_121, [0, 2, 1] : vector<64x1x8xf32> -> vector<64x8x1xf32>
    %mul3A_123 = vector.broadcast %transpose3A_122 : vector<64x8x1xf32> to vector<64x8x100xf32>
    %mul3A_124 = arith.mulf %get3A_87, %mul3A_123 : vector<64x8x100xf32>
    %reduce_sum3A_125 = arith.constant dense<0.000000e+00> : vector<64x100xf32>
    %reduce_sum3A_126 = vector.multi_reduction <add>, %mul3A_124, %reduce_sum3A_125 [1] : vector<64x8x100xf32> to vector<64x100xf32>
    %reshape3A_127 = vector.shape_cast %reduce_sum3A_74 : vector<512x100xf32> to vector<64x8x100xf32>
    %mul3A_128 = vector.broadcast %transpose3A_122 : vector<64x8x1xf32> to vector<64x8x100xf32>
    %mul3A_129 = arith.mulf %reshape3A_127, %mul3A_128 : vector<64x8x100xf32>
    %reduce_sum3A_130 = arith.constant dense<0.000000e+00> : vector<64x100xf32>
    %reduce_sum3A_131 = vector.multi_reduction <add>, %mul3A_129, %reduce_sum3A_130 [1] : vector<64x8x100xf32> to vector<64x100xf32>
    %broadcast_in_dim3A_132 = arith.constant 0.000000e+00 : f32
    %broadcast_in_dim3A_133 = vector.broadcast %broadcast_in_dim3A_132 : f32 to vector<64x56xf32>
    %concatenate3A = tpu.concatenate %reduce_sum3A_126, %reduce_sum3A_131, %broadcast_in_dim3A_133 in 1 : vector<64x100xf32>, vector<64x100xf32>, vector<64x56xf32> -> vector<64x256xf32>
    %swap3A = arith.constant 0 : index
    %swap3A_134 = arith.constant 0 : index
    %swap3A_135 = arith.constant 0 : index
    %swap3A_136 = vector.load %arg13[%swap3A, %swap3A_134, %swap3A_135] : memref<1x64x256xf32, #tpu.memory_space<vmem>>, vector<1x64x256xf32>
    %swap3A_137 = vector.shape_cast %swap3A_136 : vector<1x64x256xf32> to vector<64x256xf32>
    %swap3A_138 = vector.shape_cast %concatenate3A : vector<64x256xf32> to vector<1x64x256xf32>
    tpu.vector_store %arg13[%swap3A, %swap3A_134, %swap3A_135], %swap3A_138 {strides = array<i32>} : memref<1x64x256xf32, #tpu.memory_space<vmem>>, vector<1x64x256xf32>,
    return
  }
  func.func @transform_0(%arg0: i32, %arg1: i32) -> (i32, i32, i32) {
    %c0_i32 = arith.constant 0 : i32
    %c0_i32_0 = arith.constant 0 : i32
    %c0_i32_1 = arith.constant 0 : i32
    return %arg0, %c0_i32, %c0_i32_0 : i32, i32, i32
  }
  func.func @transform_1(%arg0: i32, %arg1: i32) -> (i32, i32, i32, i32) {
    %c0_i32 = arith.constant 0 : i32
    %c0_i32_0 = arith.constant 0 : i32
    %c0_i32_1 = arith.constant 0 : i32
    return %arg0, %arg1, %c0_i32, %c0_i32_0 : i32, i32, i32, i32
  }
  func.func @transform_2(%arg0: i32, %arg1: i32) -> (i32, i32, i32, i32) {
    %c0_i32 = arith.constant 0 : i32
    %c0_i32_0 = arith.constant 0 : i32
    %c0_i32_1 = arith.constant 0 : i32
    return %arg0, %arg1, %c0_i32, %c0_i32_0 : i32, i32, i32, i32
  }
  func.func @transform_3(%arg0: i32, %arg1: i32) -> (i32, i32, i32, i32, i32) {
    %c0_i32 = arith.constant 0 : i32
    %c0_i32_0 = arith.constant 0 : i32
    %c0_i32_1 = arith.constant 0 : i32
    %c0_i32_2 = arith.constant 0 : i32
    return %arg0, %arg1, %c0_i32, %c0_i32_0, %c0_i32_1 : i32, i32, i32, i32, i32
  }
  func.func @transform_4(%arg0: i32, %arg1: i32) -> (i32, i32, i32, i32, i32) {
    %c0_i32 = arith.constant 0 : i32
    %c0_i32_0 = arith.constant 0 : i32
    %c0_i32_1 = arith.constant 0 : i32
    %c0_i32_2 = arith.constant 0 : i32
    return %arg0, %arg1, %c0_i32, %c0_i32_0, %c0_i32_1 : i32, i32, i32, i32, i32
  }
  func.func @transform_5(%arg0: i32, %arg1: i32) -> (i32, i32) {
    %c0_i32 = arith.constant 0 : i32
    %c0_i32_0 = arith.constant 0 : i32
    %c0_i32_1 = arith.constant 0 : i32
    return %c0_i32, %c0_i32_0 : i32, i32
  }
  func.func @transform_6(%arg0: i32, %arg1: i32) -> (i32, i32) {
    %c0_i32 = arith.constant 0 : i32
    %c0_i32_0 = arith.constant 0 : i32
    %c0_i32_1 = arith.constant 0 : i32
    return %c0_i32, %c0_i32_0 : i32, i32
  }
  func.func @transform_7(%arg0: i32, %arg1: i32) -> (i32, i32) {
    %c0_i32 = arith.constant 0 : i32
    %c0_i32_0 = arith.constant 0 : i32
    %c0_i32_1 = arith.constant 0 : i32
    return %c0_i32, %c0_i32_0 : i32, i32
  }
  func.func @transform_8(%arg0: i32, %arg1: i32) -> (i32, i32) {
    %c0_i32 = arith.constant 0 : i32
    %c0_i32_0 = arith.constant 0 : i32
    %c0_i32_1 = arith.constant 0 : i32
    return %c0_i32, %c0_i32_0 : i32, i32
  }
  func.func @transform_9(%arg0: i32, %arg1: i32) -> (i32, i32) {
    %c0_i32 = arith.constant 0 : i32
    %c0_i32_0 = arith.constant 0 : i32
    %c0_i32_1 = arith.constant 0 : i32
    return %c0_i32, %c0_i32_0 : i32, i32
  }
  func.func @transform_10(%arg0: i32, %arg1: i32) -> (i32, i32) {
    %c0_i32 = arith.constant 0 : i32
    %c0_i32_0 = arith.constant 0 : i32
    %c0_i32_1 = arith.constant 0 : i32
    return %c0_i32, %c0_i32_0 : i32, i32
  }
  func.func @transform_11(%arg0: i32, %arg1: i32) -> (i32, i32, i32) {
    %c0_i32 = arith.constant 0 : i32
    %c0_i32_0 = arith.constant 0 : i32
    return %arg0, %arg1, %c0_i32 : i32, i32, i32
  }
}

</mosaic_0001>

<sc_bundles>
// kernel: gather_offload_async_start
scs
__scs_entry_jumppad:
0x0: {  	(pc) =	sbr.rel $0x88, $3  }
0x1: {  	(tag) =	ssettag $0x0;
	lr =	simm.s32 $0x1  }
0x2: {  	[smem:$0x3F95] =	sst lr;
	_ =	strace $0xD0000000  }
0x3: {  	_ = 	snop  }
0x4: {  	_ = 	snop  }
0x5: {  	_ = 	snop  }
0x6: {  	_ = 	snop  }
0x7: {  	_ = 	snop  }
__scs_overlays_trampoline_lowered:
0x8: {  	[smem:$0x3FA4] =	sst s0  }
0x9: {  	[smem:$0x3FA5] =	sst s1  }
0xa: {  	[smem:$0x3FA6] =	sst s2  }
0xb: {  	[smem:$0x3FA7] =	sst s3  }
0xc: {  	[smem:$0x3FA8] =	sst s4  }
0xd: {  	[smem:$0x3FA9] =	sst s5  }
0xe: {  	[smem:$0x3FAA] =	sst s6  }
0xf: {  	[smem:$0x3FAB] =	sst s7  }
0x10: {  	[smem:$0x3FAC] =	sst s8  }
0x11: {  	[smem:$0x3FAD] =	sst s9;
	s0 =	simm.s32 @!p0 $0x0  }
0x12: {  	s1 =	sld [smem:$0x3F93];
	s0 =	simm.s32 @p0 $0x1  }
0x13: {  	[smem:$0x3FAE] =	sst s0;
	s0 =	simm.s32 @!p1 $0x0  }
0x14: {  	s2 =	sld [smem:$0x3F92];
	s0 =	simm.s32 @p1 $0x1  }
0x15: {  	[smem:$0x3FAF] =	sst s0;
	s0 =	simm.s32 @!p2 $0x0  }
0x16: {  	s3 =	sld [smem:$0x3FDB];
	s0 =	simm.s32 @p2 $0x1  }
0x17: {  	s4 =	simm.s32 $0x1BF5;
	[smem:$0x3FB1] =	sst s0  }
0x18: {  	s0 =	sld [smem:$0x3F94];
	_ =	swait.ge [sflag:s4], $0x0  }
0x19: {  	s7 =	sld [smem:$0x3F95]  }
0x1a: {  	s8 =	sadd.s32 $0xFFFFE003, lr  }
0x1b: {  	s9 =	sadd.s32 $0xFFFFFEF7, lr;
	s5 =	simm.s32 $0xFFFFFFFF;
	p2 =	slt.u32 s8, $0xFFFFF086  }
0x1c: {  	p1 =	slt.u32 s9, $0xF7A;
	s5 =	simm.s32 @!p2 $0x0  }
0x1d: {  	s5 =	simm.s32 @p1 $0x1;
	p0 =	seq.s32 s7, s2  }
0x1e: {  	s7 =	smul.u32 @!p0 $0xF7A, s2;
	p2 =	seq.s32 @!p0 s5, $0x0  }
0x1f: {  	s9 =	smul.u32 $0xF7A, s1;
	s8 =	simm.s32 @!p0 $0x1BF5;
	p2 =	por !p2, p0  }
0x20: {  	[sflag:s8] =	ssyncset.s32 @!p0 $0xFFFFF086;
	s6 =	sadd.s32 @!p0 s3, s7;
	s7 =	simm.s32 @!p0 $0x108  }
0x21: {  	s3 =	sadd.s32 s3, s9;
	s6 =	sadd.s32 @!p0 $0x88, s6;
	s7 =	simm.s32 @p2 $0x1082  }
0x22: {  	[simem:s7], [sflag:s8] =	dma.local @!p0 [hbm:s6], $0xF7A  }
0x23: {  	s9 =	sor.u32 $0xD0000000, s2;
	s6 =	simm.s32 $0x108;
	_ =	swait.ge @!p0 [sflag:s8], $0x0  }
0x24: {  	s3 =	sadd.s32 $0x88, s3;
	s6 =	simm.s32 @!p1 $0x1082;
	[sflag:s4] =	ssyncset.s32 $0xFFFFF086  }
0x25: {  	[simem:s6], [sflag:s4] =	dma.local [hbm:s3], $0xF7A  }
0x26: {  	[smem:$0x3F95] =	sst s1;
	(tag) =	ssettag s2;
	_ =	strace s9  }
0x27: {  	s1 =	sld [smem:$0x3FA5]  }
0x28: {  	s2 =	sld [smem:$0x3FA6]  }
0x29: {  	s4 =	sld [smem:$0x3FA8]  }
0x2a: {  	p0 =	seq.s32 s5, $0x0;
	s5 =	sld [smem:$0x3FA9]  }
0x2b: {  	s6 =	sld [smem:$0x3FAA]  }
0x2c: {  	s7 =	sld [smem:$0x3FAB]  }
0x2d: {  	s3 =	simm.s32 $0x108;
	s8 =	sld [smem:$0x3FAC]  }
0x2e: {  	s3 =	simm.s32 @!p0 $0x1082;
	s9 =	sld [smem:$0x3FAD]  }
0x2f: {  	lr =	sadd.s32 s0, s3;
	s0 =	sld [smem:$0x3FA4]  }
0x30: {  	s3 =	sld [smem:$0x3FA7]  }
0x31: {  	[smem:$0x3FB0] =	sst s10  }
0x32: {  	s10 =	sld [smem:$0x3FAE];
	_ =	sdelay $0x3  }
0x33: {  	p0 =	seq.s32 s10, $0x1;
	s10 =	sld [smem:$0x3FB0];
	_ =	sdelay $0x3  }
0x34: {  	[smem:$0x3FB0] =	sst s10  }
0x35: {  	s10 =	sld [smem:$0x3FAF];
	_ =	sdelay $0x3  }
0x36: {  	p1 =	seq.s32 s10, $0x1;
	s10 =	sld [smem:$0x3FB0];
	_ =	sdelay $0x3  }
0x37: {  	[smem:$0x3FB0] =	sst s10  }
0x38: {  	s10 =	sld [smem:$0x3FB1]  }
0x39: {  	_ = 	snop;
	(pc) =	sbr.ind lr, $3  }
0x3a: {  	_ = 	snop  }
0x3b: {  	_ = 	snop  }
0x3c: {  	p2 =	seq.s32 s10, $0x1;
	s10 =	sld [smem:$0x3FB0]  }
0x3d: {  	_ =	shalt  }
0x3e: {  	_ =	shalt  }
0x3f: {  	_ =	shalt  }
0x40: {  	_ =	shalt  }
0x41: {  	_ =	shalt  }
0x42: {  	_ =	shalt  }
0x43: {  	_ =	shalt  }
0x44: {  	_ =	shalt  }
0x45: {  	_ =	shalt  }
0x46: {  	_ =	shalt  }
0x47: {  	_ =	shalt  }
0x48: {  	_ =	shalt  }
0x49: {  	_ =	shalt  }
0x4a: {  	_ =	shalt  }
0x4b: {  	_ =	shalt  }
0x4c: {  	_ =	shalt  }
0x4d: {  	_ =	shalt  }
0x4e: {  	_ =	shalt  }
0x4f: {  	_ =	shalt  }
0x50: {  	_ =	shalt  }
0x51: {  	_ =	shalt  }
0x52: {  	_ =	shalt  }
0x53: {  	_ =	shalt  }
0x54: {  	_ =	shalt  }
0x55: {  	_ =	shalt  }
0x56: {  	_ =	shalt  }
0x57: {  	_ =	shalt  }
0x58: {  	_ =	shalt  }
0x59: {  	_ =	shalt  }
0x5a: {  	_ =	shalt  }
0x5b: {  	_ =	shalt  }
0x5c: {  	_ =	shalt  }
0x5d: {  	_ =	shalt  }
0x5e: {  	_ =	shalt  }
0x5f: {  	_ =	shalt  }
0x60: {  	_ =	shalt  }
0x61: {  	_ =	shalt  }
0x62: {  	_ =	shalt  }
0x63: {  	_ =	shalt  }
0x64: {  	_ =	shalt  }
0x65: {  	_ =	shalt  }
0x66: {  	_ =	shalt  }
0x67: {  	_ =	shalt  }
0x68: {  	_ =	shalt  }
0x69: {  	_ =	shalt  }
0x6a: {  	_ =	shalt  }
0x6b: {  	_ =	shalt  }
0x6c: {  	_ =	shalt  }
0x6d: {  	_ =	shalt  }
0x6e: {  	_ =	shalt  }
0x6f: {  	_ =	shalt  }
0x70: {  	_ =	shalt  }
0x71: {  	_ =	shalt  }
0x72: {  	_ =	shalt  }
0x73: {  	_ =	shalt  }
0x74: {  	_ =	shalt  }
0x75: {  	_ =	shalt  }
0x76: {  	_ =	shalt  }
0x77: {  	_ =	shalt  }
0x78: {  	_ =	shalt  }
0x79: {  	_ =	shalt  }
0x7a: {  	_ =	shalt  }
0x7b: {  	_ =	shalt  }
0x7c: {  	_ =	shalt  }
0x7d: {  	_ =	shalt  }
0x7e: {  	_ =	shalt  }
0x7f: {  	_ =	shalt  }
0x80: {  	_ =	shalt  }
0x81: {  	_ =	shalt  }
0x82: {  	_ =	shalt  }
0x83: {  	_ =	shalt  }
0x84: {  	_ =	shalt  }
0x85: {  	_ =	shalt  }
0x86: {  	_ =	shalt  }
0x87: {  	_ =	shalt  }
.Lfunc_end0:
.L_simem_size_0:
called_computation_lowered:
.L_overlay_start_0:
0x88: {  	s2 =	sld [smem:$0x3FD9]  }
0x89: {  	s3 =	sld [smem:$0x3FFE];
	_ =	sdelay $0x1  }
0x8a: {  	s1 =	srdreg.scid  }
0x8b: {  	s0 =	sand.u32 $0x1, s1  }
0x8c: {  	s17 =	sshll.u32 s0, $0xA;
	s2 =	sadd.s32 s3, s2  }
0x8d: {  	s2 =	sadd.s32 s2, s17  }
0x8e: {  	[smem:$0x3FBC] =	sst s2  }
0x8f: {  	_ = 	snop  }
0x90: {  	s2 =	sld [smem:$0x3FD0];
	(tm) =	ssettm $0x1  }
0x91: {  	s18 =	sld [smem:$0x3FFB];
	_ =	sdelay $0x3  }
0x92: {  	_ =	strace s18  }
0x93: {  	s3 =	sld [smem:$0x3FFC];
	_ =	sdelay $0x3  }
0x94: {  	_ =	strace s3  }
0x95: {  	s3 =	sld [smem:$0x3FFD];
	_ =	sdelay $0x3  }
0x96: {  	_ =	strace s3  }
0x97: {  	_ =	strace $0x8FFFFFFF  }
0x98: {  	s19 =	sld [smem:$0x3FDB];
	_ =	sdelay $0x1  }
0x99: {  	s4 =	simm.s32 $_scs_section_size  }
0x9a: {  	s5 =	simm.s32 $_size__tile_overlayer_lowered;
	s6 =	simm.s32 $_tile_overlayer_lowered  }
0x9b: {  	s22 =	simm.s32 $0x1BFF;
	s21 =	sshll.u32 s6, $0x1;
	s3 =	sadd.s32 s4, s19  }
0x9c: {  	s7 =	simm.s32 $0x0;
	s20 =	sshll.u32 s5, $0x1;
	s5 =	sadd.s32 s21, s3  }
0x9d: {  	[timem:s7], [sflag:s22] =	dma.local [hbm:s5], s20  }
0x9e: {  	_ =	swait.ge [sflag:s22], s20  }
0x9f: {  	s4 =	ssub.s32 $0x0, s20;
	[sflag:s22] =	ssyncset.done $0x0  }
0xa0: {  	[sflag:s22] =	ssyncadd.s32 s4;
	_ =	sdelay $0x1  }
0xa1: {  	s23 =	simm.s32 $0x1B8B  }
0xa2: {  	_ =	swait.ge [sflag:s23], $0x1  }
0xa3: {  	[sflag:s23] =	ssyncset.done $0x0  }
0xa4: {  	s25 =	simm.s32 $0x1B8E;
	s24 =	sld [smem:$0x3FFE];
	[sflag:s23] =	ssyncadd.s32 $0xFFFFFFFF  }
0xa5: {  	s26 =	simm.s32 $execute0_lowered;
	[smem:$0x3FD2] =	sst s25  }
0xa6: {  	s5 =	sshll.u32 s26, $0x1;
	_ =	strace $0x80000046;
	[dreg:$0x1] =	wrdreg $0xFFFFFFFF  }
0xa7: {  	s28 =	simm.s32 $_size_execute0_lowered;
	s3 =	sadd.s32 s3, s5;
	[dreg:$0x0] =	wrdreg $0x0  }
0xa8: {  	s5 =	sshll.u32 s28, $0x1;
	[dreg:$0x2] =	wrdreg s3  }
0xa9: {  	[dreg:$0x3] =	wrdreg s5  }
0xaa: {  	[dreg:$0x4] =	wrdreg $0xC0  }
0xab: {  	_ =	task [dreg:s7], $0x5FFFF  }
0xac: {  	[dreg:$0x1] =	wrdreg $0xFFFFFFFF  }
0xad: {  	[dreg:$0x0] =	wrdreg $0x60  }
0xae: {  	[dreg:$0x2] =	wrdreg s24  }
0xaf: {  	[dreg:$0x3] =	wrdreg s2  }
0xb0: {  	[dreg:$0x4] =	wrdreg $0x9  }
0xb1: {  	_ =	task.clear_ibuf [dreg:s7], $0x5FFFF;
	_ =	strace $0x90000046  }
0xb2: {  	s29 =	simm.s32 $0x9;
	_ =	strace $0x80000048  }
0xb3: {  	_ =	swait.ge [sflag:s29], $0x1  }
0xb4: {  	[sflag:s29] =	ssyncadd.s32 $0xFFFFFFFF  }
0xb5: {  	_ =	strace $0x90000048  }
0xb6: {  	_ =	sfence  }
0xb7: {  	s30 =	sld [smem:$0x0];
	_ =	sdelay $0x2  }
0xb8: {  	s31 =	sshll.u32 s1, $0xD;
	s1 =	sshrl.u32 s1, $0x2  }
0xb9: {  	s3 =	sand.u32 $0x4000, s31;
	s1 =	sadd.s32 s1, s30  }
0xba: {  	s0 =	sor.u32 s3, s0;
	s1 =	sshll.u32 s1, $0x11  }
0xbb: {  	s0 =	sor.u32 s1, s0  }
0xbc: {  	s0 =	sadd.s32 $0x8F2B, s0  }
0xbd: {  	[sflag:s0] =	ssyncadd.remote.s32 $0x1  }
0xbe: {  	_ =	sfence.sel $0xFFFF  }
0xbf: {  	[dreg:$0x0] =	wrdreg $0xFFFFFFFF;
	(pc) =	sbr.abs _section_cstart, $3  }
0xc0: {  	[dreg:$0x1] =	wrdreg $0xFFFFFFFF  }
0xc1: {  	_ =	task.clear_ibuf [dreg:s7], $0x2FFFF;
	_ =	strace $0x9FFFFFFF  }
0xc2: {  	(tm) =	ssettm $0x7FFFFFFF  }
0xc3: {  	_ =	shalt  }
tec
execute0_lowered:
.L_overlay_start_1:
0x0: {  	(tag) =	ssettag $0x1  }
0x1: {  	s7 =	rddreg [dreg:$0x0]  }
0x2: {  	s2 =	rddreg [dreg:$0x1]  }
0x3: {  	s0 =	rddreg [dreg:$0x2]  }
0x4: {  	s1 =	srdreg.scid;
	_ =	strace $0x80000047;
	s4 =	simm.s32 $0x1  }
0x5: {  	s9 =	simm.s32 $0x3;
	s12 =	simm.s32 $0x0;
	s5 =	sshll.u32 s1, $0x4  }
.Ltmp0:
0x6: {  	s1 =	stileid.u32;
	s5 =	sand.u32 $0x10, s5;
	(pc) =	sbr.rel .LBB2_1-.Ltmp0, $4  }
0x7: {  	s10 =	simm.s32 $0x0;
	s3 =	sadd.s32 $0x800, s7;
	s6 =	sor.u32 s1, s5  }
0x8: {  	[sflag:s4] =	ssyncpa.u1 $0x0;
	s5 =	simm.s32 $0x2;
	s6 =	sshll.u32 s6, $0x6  }
0x9: {  	s7 =	sadd.s32 $0x10800, s7;
	[sflag:s5] =	ssyncpa.u1 $0x0;
	s8 =	sadd.s32 $0x40, s6  }
0xa: {  	vm0 =	vmmov $0xff;
	vm1 =	vcmask $0x3F20;
	[sflag:s9] =	ssyncpa.u1 $0x0;
	s9 =	simm.s32 $0x40;
	s11 =	smov.u32 s6  }
.LBB2_10:
0xb: {  	[hbm:s16] =	stream.linear.scatter [tilespmem:s13], [sflag:$0x3], $0x800, $0x38;
	[tilespmem:$0x8080] =	vst v63  }
.LBB2_11:
0xc: {  	p0 =	seq.s32 s10, $0x2  }
.Ltmp1:
0xd: {  	_ = 	snop;
	(pc) =	sbr.rel @p0 .LBB2_13-.Ltmp1, $1  }
0xe: {  	_ =	sdelay $0x3  }
.LBB2_12:
0xf: {  	s12 =	sadd.s32 $0x40, s11  }
0x10: {  	s13 =	smov.u32 s6;
	p0 =	slt.s32 s12, s8  }
0x11: {  	s13 =	smov.u32 @p0 s12  }
0x12: {  	s10 =	sadd.s32 $0x1, s10;
	s12 =	smov.u32 s11;
	s11 =	smov.u32 s13  }
.LBB2_1:
0x13: {  	p0 =	sne.s32 s10, $0x0  }
.Ltmp2:
0x14: {  	_ = 	snop;
	(pc) =	sbr.rel @!p0 .LBB2_2-.Ltmp2, $1  }
0x15: {  	_ =	sdelay $0x3  }
0x16: {  	s13 =	sand.u32 $0x1, s10  }
0x17: {  	p0 =	seq.s32 s13, $0x0  }
.Ltmp3:
0x18: {  	_ = 	snop;
	(pc) =	sbr.rel @p0 .LBB2_11-.Ltmp3, $1  }
0x19: {  	_ =	sdelay $0x3  }
0x1a: {  	_ =	swait.ge [sflag:s5], $0x40  }
0x1b: {  	[sflag:s5] =	ssyncset.done $0x0  }
0x1c: {  	s13 =	simm.s32 $0x0;
	[sflag:s5] =	ssyncadd.s32 $0xFFFFFFC0  }
.LBB2_5:
0x1d: {  	s14 =	sshll.u32 s13, $0x4  }
0x1e: {  	s14 =	sand.u32 $0x3FFFFFF0, s14  }
0x1f: {  	v0 =	vld.msk [tilespmem:s14+$0x40 ss:$0x1], $0xffff;
	_ =	sdelay $0x4  }
0x20: {  	v1 =	vshrl.u32 v0, $0x2  }
0x21: {  	vm2 =	veq.s32 v0, $0x80000000;
	v1 =	vand.u32 $0x1FF, v1  }
0x22: {  	v0 =	vshll.u32 v0, $0x11;
	v1 =	vsel vm2, $0xFFFFFFFF, v1  }
0x23: {  	v0 =	vand.u32 $0x60000, v0;
	v2 =	vshll.u32 v1, $0x8  }
0x24: {  	v0 =	vsel vm2, $0xFFFE0000, v0;
	v1 =	vshll.u32 v1, $0x7;
	v2 =	vand.u32 $0xFFFFF800, v2  }
0x25: {  	s31 =	sshll.u32 s13, $0xC;
	v1 =	vand.u32 $0x380, v1;
	v0 =	vadd.s32 v0, v2  }
0x26: {  	s14 =	sand.u32 $0x3FFFF000, s31;
	v0 =	vor.u32 v1, v0  }
0x27: {  	p0 =	por $0x1, $0x1;
	s15 =	simm.s32 $0x0;
	s14 =	sadd.s32 $0x4080, s14;
	v0 =	vshrl.u32 v0, $0x3  }
.LBB2_6:
0x28: {  	_ =	sdelay $0x1  }
0x29: {  	s15 =	sshra.s32 s15, $0x2;
	p1 =	por p0, p0  }
.Ltmp4:
0x2a: {  	s15 =	sadd.s32 s15, s14;
	(pc) =	sbr.rel @p1 .LBB2_6-.Ltmp4, $4  }
0x2b: {  	[tilespmem:s15], [sflag:$0x1] =	stream.indirect_vreg.gather [hbm:s3], $0x80, v0, vm0, $0x38;
	[tilespmem:$0x8080] =	vst v63  }
0x2c: {  	s15 =	sadd.s32 $0x800, s15  }
0x2d: {  	[tilespmem:s15], [sflag:$0x1] =	stream.indirect_vreg.gather [hbm:s3], $0x80, v0, vm1, $0x38;
	[tilespmem:$0x8080] =	vst v63  }
0x2e: {  	p0 =	por $0x0, $0x0;
	v0 =	vadd.s32 $0x80, v0;
	s15 =	simm.s32 $0x1000  }
0x2f: {  	s13 =	sadd.s32 $0x1, s13  }
0x30: {  	p0 =	sne.s32 s13, $0x4  }
.Ltmp5:
0x31: {  	_ = 	snop;
	(pc) =	sbr.rel @p0 .LBB2_5-.Ltmp5, $1  }
0x32: {  	_ =	sdelay $0x3  }
0x33: {  	s13 =	sshll.u32 s12, $0x5  }
0x34: {  	_ =	swait.ge [sflag:s4], $0x4000;
	s31 =	sshll.u32 s12, $0x4;
	s13 =	sand.u32 $0xFFFFFF00, s13  }
0x35: {  	s14 =	simm.s32 $0x100;
	s12 =	sand.u32 $0x70, s31;
	s13 =	sadd.s32 s13, s7  }
0x36: {  	s15 =	simm.s32 $0x4880;
	[sflag:s4] =	ssyncset.done $0x0;
	s12 =	sadd.s32 s12, s13  }
0x37: {  	[sflag:s4] =	ssyncadd.s32 $0xFFFFC000;
	s13 =	simm.s32 $0x4080;
	s16 =	sadd.s32 $0x0, s12  }
.LBB2_9:
0x38: {  	[hbm:s16] =	stream.linear.scatter [tilespmem:s13], [sflag:$0x3], $0x800, $0x38;
	[tilespmem:$0x8080] =	vst v63  }
0x39: {  	s16 =	smov.u32 s14;
	s13 =	smov.u32 s15;
	p0 =	sne.s32 s14, $0x700  }
.Ltmp6:
0x3a: {  	s14 =	sadd.s32 $0x100, s14;
	(pc) =	sbr.rel @p0 .LBB2_9-.Ltmp6, $2  }
0x3b: {  	_ =	sdelay $0x2  }
0x3c: {  	s15 =	sadd.s32 $0x800, s15;
	s16 =	sadd.s32 s16, s12  }
.Ltmp7:
0x3d: {  	_ = 	snop;
	(pc) =	sbr.rel .LBB2_10-.Ltmp7, $1  }
0x3e: {  	_ =	sdelay $0x3  }
.LBB2_2:
.Ltmp8:
0x3f: {  	(pc) =	sbr.rel .LBB2_12-.Ltmp8, $4  }
0x40: {  	_ = 	snop  }
0x41: {  	s12 =	sshrl.u32 s11, $0x3  }
0x42: {  	s13 =	sand.u32 $0x7, s11;
	s12 =	sadd.s32 s2, s12  }
0x43: {  	[tilespmem:s9], [sflag:$0x2] =	stream.linear.gather [hbm4b:s12+s13], $0x40, $0x38;
	[tilespmem:$0x8080] =	vst v63  }
.LBB2_13:
0x44: {  	s2 =	simm.s32 $0x3  }
0x45: {  	_ =	swait.ge [sflag:s2], $0x4000  }
0x46: {  	[sflag:s2] =	ssyncset.done $0x0  }
0x47: {  	[sflag:s2] =	ssyncadd.s32 $0xFFFFC000  }
0x48: {  	_ =	sfence.sel $0x180000  }
0x49: {  	s3 =	simm.s32 $0x2;
	[bflag:$0x0] =	sbarrier.arrive $0xFFFF  }
0x4a: {  	[sflag:s3] =	ssyncpa.u1 $0x1  }
0x4b: {  	s31 =	simm.s32 $0x1;
	[sflag:s2] =	ssyncpa.u1 $0x1  }
0x4c: {  	[sflag:s31] =	ssyncpa.u1 $0x1  }
0x4d: {  	p0 =	sne.s32 s1, $0x0;
	_ =	strace $0x90000047  }
0x4e: {  	s0 =	sadd.s32 @!p0 $0x100000, s0;
	[bflag:$0x2] =	sbarrier.arrive $0xFFFF  }
0x4f: {  	[sflag:s0] =	ssyncadd.tile.s32 @!p0 $0x1;
	_ =	shalt  }
.Lfunc_end2:
_tile_overlayer_lowered:
.L_overlay_start_2:
0x50: {  	(tag) =	ssettag $0x2  }
0x51: {  	s0 =	rddreg [dreg:$0x0];
	s2 =	stileid.u32  }
0x52: {  	s1 =	rddreg [dreg:$0x1];
	p0 =	sne.s32 s2, $0x0  }
0x53: {  	s3 =	rddreg [dreg:$0x2];
	[bflag:$0x3] =	sbarrier.arrive $0xFFFF;
	s2 =	simm.s32 @!p0 $0x1C01  }
0x54: {  	[timem:s3], [sflag:s2] =	dma.local @!p0 [hbm:s0], s1  }
0x55: {  	s0 =	simm.s32 @!p0 $0x1  }
0x56: {  	_ =	swait.ge @!p0 [sflag:s0], s1  }
0x57: {  	s1 =	ssub.s32 @!p0 $0x0, s1;
	[sflag:s0] =	ssyncset.done @!p0 $0x0  }
0x58: {  	[sflag:s0] =	ssyncadd.s32 @!p0 s1  }
0x59: {  	[bflag:$0x3] =	sbarrier.arrive $0xFFFF  }
0x5a: {  	_ =	shalt  }

</sc_bundles>
